<compile_context>
chip_gen: v7x
topology: tpu7x:2x2x1
jax: 0.10.2.dev20260603
libtpu: 0.0.44.dev20260713+nightly
codegen_flags: <defaults>
</compile_context>

<pallas_src>
import dataclasses
import functools

import jax
import jax.numpy as jnp
from jax.experimental import pallas as pl
from jax.experimental.pallas import tpu as pltpu
from jax.experimental.pallas import tpu_sc as plsc

_CH = 2048
_LANES = 16


def _dense_body(preds_ref, targs_ref, idx_ref, logit_ref, base_ref):
    n = preds_ref.shape[2]
    iota_i = jax.lax.broadcasted_iota(jnp.int32, (_CH, n), 1)
    low_mask = jnp.int32(0xFFF)

    px = preds_ref[pl.ds(0, 1), 0:1, :].reshape(1, n)
    py = preds_ref[pl.ds(0, 1), 1:2, :].reshape(1, n)

    def chunk(c, cc):
        j0 = c * _CH
        tx = targs_ref[pl.ds(0, 1), pl.ds(j0, _CH), 0:1].reshape(_CH, 1)
        ty = targs_ref[pl.ds(0, 1), pl.ds(j0, _CH), 1:2].reshape(_CH, 1)
        tm = targs_ref[pl.ds(0, 1), pl.ds(j0, _CH), 2:3].reshape(_CH, 1)
        dx = tx - px
        dy = ty - py
        d2 = dx * dx + dy * dy
        d2i = jax.lax.bitcast_convert_type(d2, jnp.int32)
        comb = jax.lax.bitcast_convert_type(
            (d2i & ~low_mask) | iota_i, jnp.float32
        )
        mn = jnp.min(comb, axis=1, keepdims=True)
        idxc = jax.lax.bitcast_convert_type(mn, jnp.int32) & low_mask
        idxc = jnp.where(tm != 0.0, idxc, n)
        idx_ref[pl.ds(0, 1), pl.ds(j0, _CH), :] = idxc.reshape(1, _CH, 1)
        return cc

    jax.lax.fori_loop(0, n // _CH, chunk, 0)

    p = preds_ref[pl.ds(0, 1), 2:3, :].reshape(1, n)
    p = jnp.clip(p, 1e-12, 1.0 - 1e-12)
    lp = jnp.log(p)
    l1p = jnp.log(1.0 - p)
    logit_ref[pl.ds(0, 1), 0:1, :] = (lp - l1p).reshape(1, 1, n)
    base_ref[pl.ds(0, 1), 0:1, 0:1] = jnp.sum(l1p).reshape(1, 1, 1)


def _sc_correction(n, n_pad, b, idx_hbm, logit_hbm, out_hbm,
                   lab_v, idx_v, logit_v, red_v, sem):
    c = jax.lax.axis_index("c")
    s = jax.lax.axis_index("s")
    w = s * 2 + c

    @pl.when(w < b)
    def _():
        pltpu.async_copy(idx_hbm.at[w], idx_v, sem).wait()
        pltpu.async_copy(logit_hbm.at[w], logit_v.at[pl.ds(0, n)], sem).wait()
        zeros = jnp.zeros((_LANES,), jnp.float32)
        logit_v[pl.ds(n, _LANES)] = zeros

        @pl.loop(0, n_pad, step=_LANES)
        def _(i):
            lab_v[pl.ds(i, _LANES)] = zeros

        @pl.loop(0, n, step=_LANES)
        def _(i):
            idx16 = idx_v[pl.ds(i, _LANES)]
            vals = plsc.load_gather(logit_v, [idx16])
            plsc.store_scatter(lab_v, [idx16], vals)

        lab_v[pl.ds(n, _LANES)] = zeros

        def rbody(i, acc):
            return acc + lab_v[pl.ds(i * _LANES, _LANES)]

        red_v[...] = jax.lax.fori_loop(0, n_pad // _LANES, rbody, zeros)
        pltpu.sync_copy(red_v, out_hbm.at[w])


def kernel(preds, targs, label_lengths):
    del label_lengths
    B, N, _ = preds.shape
    N_PAD = N + _LANES
    preds_t = jnp.transpose(preds, (0, 2, 1))

    idx3, logit3, base = pl.pallas_call(
        _dense_body,
        grid=(B,),
        in_specs=[
            pl.BlockSpec((1, 3, N), lambda b: (b, 0, 0)),
            pl.BlockSpec((1, N, 3), lambda b: (b, 0, 0)),
        ],
        out_specs=[
            pl.BlockSpec((1, N, 1), lambda b: (b, 0, 0)),
            pl.BlockSpec((1, 1, N), lambda b: (b, 0, 0)),
            pl.BlockSpec((1, 1, 1), lambda b: (b, 0, 0)),
        ],
        out_shape=[
            jax.ShapeDtypeStruct((B, N, 1), jnp.int32),
            jax.ShapeDtypeStruct((B, 1, N), jnp.float32),
            jax.ShapeDtypeStruct((B, 1, 1), jnp.float32),
        ],
    )(preds_t, targs)

    idx = idx3.reshape(B, N)
    logit = logit3.reshape(B, N)

    mesh = plsc.VectorSubcoreMesh(core_axis_name="c", subcore_axis_name="s")
    cp = pltpu.CompilerParams()
    if "needs_layout_passes" in pltpu.CompilerParams.__dataclass_fields__:
        cp = dataclasses.replace(cp, needs_layout_passes=False)
    corr = pl.kernel(
        functools.partial(_sc_correction, N, N_PAD, B),
        out_type=jax.ShapeDtypeStruct((B, _LANES), jnp.float32),
        mesh=mesh,
        scratch_types=[
            pltpu.VMEM((N_PAD,), jnp.float32),
            pltpu.VMEM((N,), jnp.int32),
            pltpu.VMEM((N_PAD,), jnp.float32),
            pltpu.VMEM((_LANES,), jnp.float32),
            pltpu.SemaphoreType.DMA,
        ],
        compiler_params=cp,
    )(idx, logit)

    return -(jnp.sum(base) + jnp.sum(corr)) / N

# --- scband reference (transcript-rebuilt; emitter-appended) ---
"""Pipeline reference for scband-ssl-91173565760111 (READ-ONLY COPY).

The authoritative reference and input builder live on the scoring server;
editing this copy changes nothing except your own understanding.
"""

import jax, jax.numpy as jnp
import numpy as np


def setup_inputs(seed: int = 0) -> dict:
    key = jax.random.key(seed)
    k1, k2, k3 = jax.random.split(key, 3)
    preds = jax.random.uniform(k1, (16, 4096, 3), dtype=jnp.float32)
    targs = jax.random.uniform(k2, (16, 4096, 3), dtype=jnp.float32)
    label_lengths = jax.random.randint(k3, (16,), 0, 4096, dtype=jnp.int64)
    return {"preds": preds, "targs": targs, "label_lengths": label_lengths}


def _bce(p, y):
    # torch.nn.BCELoss with default mean reduction; clamp like torch clamps log at -100
    p = jnp.clip(p, 1e-12, 1.0 - 1e-12)
    return -jnp.mean(y * jnp.log(p) + (1.0 - y) * jnp.log(1.0 - p))


def reference(preds, targs, label_lengths):
    loss_indices = 2
    B, N, _ = preds.shape
    loss_tensor = jnp.zeros((), dtype=jnp.float32)
    for i in range(B):
        t = targs[i]
        mask = t[:, loss_indices] != 0  # torch.nonzero of start-stroke column
        targ_pts = t[:, 0:2]
        pred_pts = preds[i][:, 0:2]
        # exact nearest neighbor (KDTree.query k=1) via brute-force L2
        d2 = jnp.sum((targ_pts[:, None, :] - pred_pts[None, :, :]) ** 2, axis=-1)
        start_indices = jnp.argmin(d2, axis=1)
        start_indices = jnp.where(mask, start_indices, N)
        pred_gt_fitted = jnp.zeros((N,), dtype=jnp.float32).at[start_indices].set(1.0, mode="drop")
        loss_tensor = loss_tensor + _bce(preds[i][:, loss_indices], pred_gt_fitted)
    return loss_tensor

if __name__ == "__main__":
    import jax
    _d = setup_inputs()
    print(jax.jit(kernel)(*tuple(_d.values())))

</pallas_src>

<mosaic_0001>
#map = affine_map<(d0, d1) -> (0, 0)>
module attributes {stable_mosaic.version = 14 : i64} {
  func.func @_sc_correction(%arg0: i32, %arg1: i32, %arg2: memref<16x4096xi32, #tpu.memory_space<hbm>>, %arg3: memref<16x4096xf32, #tpu.memory_space<hbm>>, %arg4: memref<16x16xf32, #tpu.memory_space<hbm>>, %arg5: memref<4112xf32, #tpu.memory_space<vmem>>, %arg6: memref<4096xi32, #tpu.memory_space<vmem>>, %arg7: memref<4112xf32, #tpu.memory_space<vmem>>, %arg8: memref<16xf32, #tpu.memory_space<vmem>>, %arg9: memref<!tpu.dma_semaphore, #tpu.memory_space<semaphore_mem>>) attributes {dimension_semantics = [#tpu.dimension_semantics<core_parallel>, #tpu.dimension_semantics<subcore_parallel>], iteration_bounds = array<i64: 2, 16>, scalar_prefetch = 0 : i64, scratch_operands = 5 : i64, tpu.core_type = #tpu.core_type<sc_vector_subcore>, window_params = [{transform_indices = #map}, {transform_indices = #map}, {transform_indices = #map}]} {
    %mul3A = arith.constant 2 : i32
    %mul3A_0 = arith.muli %arg1, %mul3A : i32
    %add3A = arith.addi %mul3A_0, %arg0 : i32
    %lt3A = arith.constant 16 : i32
    %lt3A_1 = arith.cmpi slt, %add3A, %lt3A : i32
    %convert_element_type3A = arith.extui %lt3A_1 : i1 to i32
    %cond3A = arith.constant 0 : i32
    %cond3A_2 = arith.cmpi ne, %convert_element_type3A, %cond3A : i32
    scf.if %cond3A_2 {
      %dma_start3A = arith.constant 0 : i32
      %dma_start3A_3 = tpu.memref_slice %arg2[%add3A, %dma_start3A] : memref<16x4096xi32, #tpu.memory_space<hbm>> -> memref<1x4096xi32, #tpu.memory_space<hbm>>
      %dma_start3A_4 = tpu.memref_squeeze %dma_start3A_3 : memref<1x4096xi32, #tpu.memory_space<hbm>> -> memref<4096xi32, #tpu.memory_space<hbm>>
      %dma_start3A_5 = arith.constant 0 : i32
      %dma_start3A_6 = tpu.memref_slice %arg2[%add3A, %dma_start3A_5] : memref<16x4096xi32, #tpu.memory_space<hbm>> -> memref<1x4096xi32, #tpu.memory_space<hbm>>
      %dma_start3A_7 = tpu.memref_squeeze %dma_start3A_6 : memref<1x4096xi32, #tpu.memory_space<hbm>> -> memref<4096xi32, #tpu.memory_space<hbm>>
      tpu.enqueue_dma source(%dma_start3A_7 : memref<4096xi32, #tpu.memory_space<hbm>>) target(%arg6 : memref<4096xi32, #tpu.memory_space<vmem>>) target_semaphore(%arg9 : memref<!tpu.dma_semaphore, #tpu.memory_space<semaphore_mem>>)
      %dma_wait3A = arith.constant 0 : i32
      %dma_wait3A_8 = tpu.memref_slice %arg2[%add3A, %dma_wait3A] : memref<16x4096xi32, #tpu.memory_space<hbm>> -> memref<1x4096xi32, #tpu.memory_space<hbm>>
      %dma_wait3A_9 = tpu.memref_squeeze %dma_wait3A_8 : memref<1x4096xi32, #tpu.memory_space<hbm>> -> memref<4096xi32, #tpu.memory_space<hbm>>
      %dma_wait3A_10 = arith.constant 0 : i32
      %dma_wait3A_11 = tpu.memref_slice %arg2[%add3A, %dma_wait3A_10] : memref<16x4096xi32, #tpu.memory_space<hbm>> -> memref<1x4096xi32, #tpu.memory_space<hbm>>
      %dma_wait3A_12 = tpu.memref_squeeze %dma_wait3A_11 : memref<1x4096xi32, #tpu.memory_space<hbm>> -> memref<4096xi32, #tpu.memory_space<hbm>>
      tpu.wait_dma2 semaphore(%arg9 : memref<!tpu.dma_semaphore, #tpu.memory_space<semaphore_mem>>) src(%dma_wait3A_12 : memref<4096xi32, #tpu.memory_space<hbm>>) dst(%arg6 : memref<4096xi32, #tpu.memory_space<vmem>>)
      %dma_start3A_13 = arith.constant 0 : i32
      %dma_start3A_14 = tpu.memref_slice %arg7[%dma_start3A_13] : memref<4112xf32, #tpu.memory_space<vmem>> -> memref<4096xf32, #tpu.memory_space<vmem>>
      %dma_start3A_15 = arith.constant 0 : i32
      %dma_start3A_16 = tpu.memref_slice %arg3[%add3A, %dma_start3A_15] : memref<16x4096xf32, #tpu.memory_space<hbm>> -> memref<1x4096xf32, #tpu.memory_space<hbm>>
      %dma_start3A_17 = tpu.memref_squeeze %dma_start3A_16 : memref<1x4096xf32, #tpu.memory_space<hbm>> -> memref<4096xf32, #tpu.memory_space<hbm>>
      %dma_start3A_18 = arith.constant 0 : i32
      %dma_start3A_19 = tpu.memref_slice %arg7[%dma_start3A_18] : memref<4112xf32, #tpu.memory_space<vmem>> -> memref<4096xf32, #tpu.memory_space<vmem>>
      %dma_start3A_20 = arith.constant 0 : i32
      %dma_start3A_21 = tpu.memref_slice %arg3[%add3A, %dma_start3A_20] : memref<16x4096xf32, #tpu.memory_space<hbm>> -> memref<1x4096xf32, #tpu.memory_space<hbm>>
      %dma_start3A_22 = tpu.memref_squeeze %dma_start3A_21 : memref<1x4096xf32, #tpu.memory_space<hbm>> -> memref<4096xf32, #tpu.memory_space<hbm>>
      tpu.enqueue_dma source(%dma_start3A_22 : memref<4096xf32, #tpu.memory_space<hbm>>) target(%dma_start3A_19 : memref<4096xf32, #tpu.memory_space<vmem>>) target_semaphore(%arg9 : memref<!tpu.dma_semaphore, #tpu.memory_space<semaphore_mem>>)
      %dma_wait3A_23 = arith.constant 0 : i32
      %dma_wait3A_24 = tpu.memref_slice %arg7[%dma_wait3A_23] : memref<4112xf32, #tpu.memory_space<vmem>> -> memref<4096xf32, #tpu.memory_space<vmem>>
      %dma_wait3A_25 = arith.constant 0 : i32
      %dma_wait3A_26 = tpu.memref_slice %arg3[%add3A, %dma_wait3A_25] : memref<16x4096xf32, #tpu.memory_space<hbm>> -> memref<1x4096xf32, #tpu.memory_space<hbm>>
      %dma_wait3A_27 = tpu.memref_squeeze %dma_wait3A_26 : memref<1x4096xf32, #tpu.memory_space<hbm>> -> memref<4096xf32, #tpu.memory_space<hbm>>
      %dma_wait3A_28 = arith.constant 0 : i32
      %dma_wait3A_29 = tpu.memref_slice %arg7[%dma_wait3A_28] : memref<4112xf32, #tpu.memory_space<vmem>> -> memref<4096xf32, #tpu.memory_space<vmem>>
      %dma_wait3A_30 = arith.constant 0 : i32
      %dma_wait3A_31 = tpu.memref_slice %arg3[%add3A, %dma_wait3A_30] : memref<16x4096xf32, #tpu.memory_space<hbm>> -> memref<1x4096xf32, #tpu.memory_space<hbm>>
      %dma_wait3A_32 = tpu.memref_squeeze %dma_wait3A_31 : memref<1x4096xf32, #tpu.memory_space<hbm>> -> memref<4096xf32, #tpu.memory_space<hbm>>
      tpu.wait_dma2 semaphore(%arg9 : memref<!tpu.dma_semaphore, #tpu.memory_space<semaphore_mem>>) src(%dma_wait3A_32 : memref<4096xf32, #tpu.memory_space<hbm>>) dst(%dma_wait3A_29 : memref<4096xf32, #tpu.memory_space<vmem>>)
      %broadcast_in_dim3A = arith.constant 0.000000e+00 : f32
      %broadcast_in_dim3A_33 = vector.broadcast %broadcast_in_dim3A : f32 to vector<16xf32>
      %swap3A = arith.constant 4096 : index
      %swap3A_34 = tpu.vector_load %arg7[%swap3A] {strides = array<i32>} : memref<4112xf32, #tpu.memory_space<vmem>>, vector<16xf32>,
      tpu.vector_store %arg7[%swap3A], %broadcast_in_dim3A_33 {strides = array<i32>} : memref<4112xf32, #tpu.memory_space<vmem>>, vector<16xf32>,
      %scan3A = arith.constant 0 : i32
      %scan3A_35 = arith.constant 257 : i32
      %scan3A_36 = arith.addi %scan3A, %scan3A_35 : i32
      %scan3A_37 = arith.constant 1 : i32
      scf.for %scan3A_54 = %scan3A to %scan3A_36 step %scan3A_37  : i32 {
        %mul3A_55 = arith.constant 16 : i32
        %mul3A_56 = arith.muli %scan3A_54, %mul3A_55 : i32
        %add3A_57 = arith.constant 0 : i32
        %add3A_58 = arith.addi %add3A_57, %mul3A_56 : i32
        %swap3A_59 = arith.index_cast %add3A_58 : i32 to index
        %swap3A_60 = tpu.vector_load %arg5[%swap3A_59] {strides = array<i32>} : memref<4112xf32, #tpu.memory_space<vmem>>, vector<16xf32>,
        tpu.vector_store %arg5[%swap3A_59], %broadcast_in_dim3A_33 {strides = array<i32>} : memref<4112xf32, #tpu.memory_space<vmem>>, vector<16xf32>,
      }
      %scan3A_38 = arith.constant 257 : i32
      %scan3A_39 = arith.constant 0 : i32
      %scan3A_40 = arith.constant 256 : i32
      %scan3A_41 = arith.addi %scan3A_39, %scan3A_40 : i32
      %scan3A_42 = arith.constant 1 : i32
      scf.for %scan3A_54 = %scan3A_39 to %scan3A_41 step %scan3A_42  : i32 {
        %mul3A_55 = arith.constant 16 : i32
        %mul3A_56 = arith.muli %scan3A_54, %mul3A_55 : i32
        %add3A_57 = arith.constant 0 : i32
        %add3A_58 = arith.addi %add3A_57, %mul3A_56 : i32
        %get3A = arith.index_cast %add3A_58 : i32 to index
        %get3A_59 = tpu.vector_load %arg6[%get3A] {strides = array<i32>} : memref<4096xi32, #tpu.memory_space<vmem>>, vector<16xi32>,
        %gather3A = tpu.vector_load_idx %arg7[%get3A_59] : memref<4112xf32, #tpu.memory_space<vmem>>[vector<16xi32>], vector<16xf32>,
        tpu.vector_store_idx %arg5[%get3A_59], %gather3A : memref<4112xf32, #tpu.memory_space<vmem>>[vector<16xi32>], vector<16xf32>,
      }
      %scan3A_43 = arith.constant 256 : i32
      %swap3A_44 = arith.constant 4096 : index
      %swap3A_45 = tpu.vector_load %arg5[%swap3A_44] {strides = array<i32>} : memref<4112xf32, #tpu.memory_space<vmem>>, vector<16xf32>,
      tpu.vector_store %arg5[%swap3A_44], %broadcast_in_dim3A_33 {strides = array<i32>} : memref<4112xf32, #tpu.memory_space<vmem>>, vector<16xf32>,
      %scan3A_46 = arith.constant 0 : i32
      %scan3A_47 = arith.constant 257 : i32
      %scan3A_48 = arith.addi %scan3A_46, %scan3A_47 : i32
      %scan3A_49 = arith.constant 1 : i32
      %scan3A_50 = scf.for %scan3A_54 = %scan3A_46 to %scan3A_48 step %scan3A_49 iter_args(%scan3A_55 = %broadcast_in_dim3A_33) -> (vector<16xf32>)  : i32 {
        %mul3A_56 = arith.constant 16 : i32
        %mul3A_57 = arith.muli %scan3A_54, %mul3A_56 : i32
        %get3A = arith.index_cast %mul3A_57 : i32 to index
        %get3A_58 = tpu.vector_load %arg5[%get3A] {strides = array<i32>} : memref<4112xf32, #tpu.memory_space<vmem>>, vector<16xf32>,
        %add3A_59 = arith.addf %scan3A_55, %get3A_58 : vector<16xf32>
        scf.yield %add3A_59 : vector<16xf32>
      }
      %scan3A_51 = arith.constant 257 : i32
      %swap3A_52 = arith.constant 0 : index
      %swap3A_53 = tpu.vector_load %arg8[%swap3A_52] {strides = array<i32>} : memref<16xf32, #tpu.memory_space<vmem>>, vector<16xf32>,
      tpu.vector_store %arg8[%swap3A_52], %scan3A_50 {strides = array<i32>} : memref<16xf32, #tpu.memory_space<vmem>>, vector<16xf32>,
      "tpu.region"() ({
        %run_scoped3A = tpu.sem_alloc : memref<!tpu.dma_semaphore, #tpu.memory_space<semaphore_mem>>
        %dma_start3A_54 = arith.constant 0 : i32
        %dma_start3A_55 = tpu.memref_slice %arg4[%add3A, %dma_start3A_54] : memref<16x16xf32, #tpu.memory_space<hbm>> -> memref<1x16xf32, #tpu.memory_space<hbm>>
        %dma_start3A_56 = tpu.memref_squeeze %dma_start3A_55 : memref<1x16xf32, #tpu.memory_space<hbm>> -> memref<16xf32, #tpu.memory_space<hbm>>
        %dma_start3A_57 = arith.constant 0 : i32
        %dma_start3A_58 = tpu.memref_slice %arg4[%add3A, %dma_start3A_57] : memref<16x16xf32, #tpu.memory_space<hbm>> -> memref<1x16xf32, #tpu.memory_space<hbm>>
        %dma_start3A_59 = tpu.memref_squeeze %dma_start3A_58 : memref<1x16xf32, #tpu.memory_space<hbm>> -> memref<16xf32, #tpu.memory_space<hbm>>
        tpu.enqueue_dma source(%arg8 : memref<16xf32, #tpu.memory_space<vmem>>) target(%dma_start3A_59 : memref<16xf32, #tpu.memory_space<hbm>>) target_semaphore(%run_scoped3A : memref<!tpu.dma_semaphore, #tpu.memory_space<semaphore_mem>>)
        %dma_wait3A_60 = arith.constant 0 : i32
        %dma_wait3A_61 = tpu.memref_slice %arg4[%add3A, %dma_wait3A_60] : memref<16x16xf32, #tpu.memory_space<hbm>> -> memref<1x16xf32, #tpu.memory_space<hbm>>
        %dma_wait3A_62 = tpu.memref_squeeze %dma_wait3A_61 : memref<1x16xf32, #tpu.memory_space<hbm>> -> memref<16xf32, #tpu.memory_space<hbm>>
        %dma_wait3A_63 = arith.constant 0 : i32
        %dma_wait3A_64 = tpu.memref_slice %arg4[%add3A, %dma_wait3A_63] : memref<16x16xf32, #tpu.memory_space<hbm>> -> memref<1x16xf32, #tpu.memory_space<hbm>>
        %dma_wait3A_65 = tpu.memref_squeeze %dma_wait3A_64 : memref<1x16xf32, #tpu.memory_space<hbm>> -> memref<16xf32, #tpu.memory_space<hbm>>
        tpu.wait_dma2 semaphore(%run_scoped3A : memref<!tpu.dma_semaphore, #tpu.memory_space<semaphore_mem>>) src(%arg8 : memref<16xf32, #tpu.memory_space<vmem>>) dst(%dma_wait3A_65 : memref<16xf32, #tpu.memory_space<hbm>>)
        tpu.yield
      }) : () -> ()
    } else {
    }
    return
  }
}

module attributes {stable_mosaic.version = 14 : i64} {
  func.func @_dense_body(%arg0: i32, %arg1: memref<1x3x4096xf32, #tpu.memory_space<vmem>>, %arg2: memref<1x4096x3xf32, #tpu.memory_space<vmem>>, %arg3: memref<1x4096x1xi32, #tpu.memory_space<vmem>>, %arg4: memref<1x1x4096xf32, #tpu.memory_space<vmem>>, %arg5: memref<1x1x1xf32, #tpu.memory_space<vmem>>) attributes {dimension_semantics = [#tpu.dimension_semantics<arbitrary>], iteration_bounds = array<i64: 16>, scalar_prefetch = 0 : i64, scratch_operands = 0 : i64, tpu.core_type = #tpu.core_type<tc>, window_params = [{transform_indices = @transform_0, window_bounds = array<i64: 1, 3, 4096>}, {transform_indices = @transform_1, window_bounds = array<i64: 1, 4096, 3>}, {transform_indices = @transform_2, window_bounds = array<i64: 1, 4096, 1>}, {transform_indices = @transform_3, window_bounds = array<i64: 1, 1, 4096>}, {transform_indices = @transform_4, window_bounds = array<i64: 1, 1, 1>}]} {
    %iota3A = tpu.iota {dimensions = array<i32: 1>} : vector<2048x4096xi32>
    %get3A = arith.constant 0 : index
    %get3A_0 = arith.constant 0 : index
    %get3A_1 = arith.constant 0 : index
    %get3A_2 = vector.load %arg1[%get3A, %get3A_0, %get3A_1] : memref<1x3x4096xf32, #tpu.memory_space<vmem>>, vector<1x1x4096xf32>
    %reshape3A = vector.shape_cast %get3A_2 : vector<1x1x4096xf32> to vector<1x4096xf32>
    %get3A_3 = arith.constant 0 : index
    %get3A_4 = arith.constant 1 : index
    %get3A_5 = arith.constant 0 : index
    %get3A_6 = vector.load %arg1[%get3A_3, %get3A_4, %get3A_5] : memref<1x3x4096xf32, #tpu.memory_space<vmem>>, vector<1x1x4096xf32>
    %reshape3A_7 = vector.shape_cast %get3A_6 : vector<1x1x4096xf32> to vector<1x4096xf32>
    %scan3A = arith.constant 4095 : i32
    %scan3A_8 = arith.constant 0 : i32
    %scan3A_9 = arith.constant 2 : i32
    %scan3A_10 = arith.addi %scan3A_8, %scan3A_9 : i32
    %scan3A_11 = arith.constant 1 : i32
    scf.for %scan3A_38 = %scan3A_8 to %scan3A_10 step %scan3A_11  : i32 {
      %mul3A = arith.constant 2048 : i32
      %mul3A_39 = arith.muli %scan3A_38, %mul3A : i32
      %get3A_40 = arith.constant 0 : index
      %get3A_41 = arith.index_cast %mul3A_39 : i32 to index
      %get3A_42 = arith.constant 0 : index
      %get3A_43 = vector.load %arg2[%get3A_40, %get3A_41, %get3A_42] : memref<1x4096x3xf32, #tpu.memory_space<vmem>>, vector<1x2048x1xf32>
      %reshape3A_44 = vector.shape_cast %get3A_43 : vector<1x2048x1xf32> to vector<2048x1xf32>
      %get3A_45 = arith.constant 0 : index
      %get3A_46 = arith.index_cast %mul3A_39 : i32 to index
      %get3A_47 = arith.constant 1 : index
      %get3A_48 = vector.load %arg2[%get3A_45, %get3A_46, %get3A_47] : memref<1x4096x3xf32, #tpu.memory_space<vmem>>, vector<1x2048x1xf32>
      %reshape3A_49 = vector.shape_cast %get3A_48 : vector<1x2048x1xf32> to vector<2048x1xf32>
      %get3A_50 = arith.constant 0 : index
      %get3A_51 = arith.index_cast %mul3A_39 : i32 to index
      %get3A_52 = arith.constant 2 : index
      %get3A_53 = vector.load %arg2[%get3A_50, %get3A_51, %get3A_52] : memref<1x4096x3xf32, #tpu.memory_space<vmem>>, vector<1x2048x1xf32>
      %reshape3A_54 = vector.shape_cast %get3A_53 : vector<1x2048x1xf32> to vector<2048x1xf32>
      %sub3A_55 = vector.broadcast %reshape3A_44 : vector<2048x1xf32> to vector<2048x4096xf32>
      %sub3A_56 = vector.broadcast %reshape3A : vector<1x4096xf32> to vector<2048x4096xf32>
      %sub3A_57 = arith.subf %sub3A_55, %sub3A_56 : vector<2048x4096xf32>
      %sub3A_58 = vector.broadcast %reshape3A_49 : vector<2048x1xf32> to vector<2048x4096xf32>
      %sub3A_59 = vector.broadcast %reshape3A_7 : vector<1x4096xf32> to vector<2048x4096xf32>
      %sub3A_60 = arith.subf %sub3A_58, %sub3A_59 : vector<2048x4096xf32>
      %mul3A_61 = arith.mulf %sub3A_57, %sub3A_57 : vector<2048x4096xf32>
      %mul3A_62 = arith.mulf %sub3A_60, %sub3A_60 : vector<2048x4096xf32>
      %add3A = arith.addf %mul3A_61, %mul3A_62 : vector<2048x4096xf32>
      %bitcast_convert_type3A = tpu.bitcast %add3A : vector<2048x4096xf32> -> vector<2048x4096xi32>
      %not3A = arith.constant -1 : i32
      %not3A_63 = arith.xori %scan3A, %not3A : i32
      %and3A = vector.broadcast %not3A_63 : i32 to vector<2048x4096xi32>
      %and3A_64 = arith.andi %bitcast_convert_type3A, %and3A : vector<2048x4096xi32>
      %or3A = arith.ori %and3A_64, %iota3A : vector<2048x4096xi32>
      %bitcast_convert_type3A_65 = tpu.bitcast %or3A : vector<2048x4096xi32> -> vector<2048x4096xf32>
      %reduce_min3A = arith.constant dense<0x7F800000> : vector<2048xf32>
      %reduce_min3A_66 = vector.multi_reduction <minimumf>, %bitcast_convert_type3A_65, %reduce_min3A [1] : vector<2048x4096xf32> to vector<2048xf32>
      %broadcast_in_dim3A = vector.shape_cast %reduce_min3A_66 : vector<2048xf32> to vector<2048x1xf32>
      %bitcast_convert_type3A_67 = tpu.bitcast %broadcast_in_dim3A : vector<2048x1xf32> -> vector<2048x1xi32>
      %and3A_68 = vector.broadcast %scan3A : i32 to vector<2048x1xi32>
      %and3A_69 = arith.andi %bitcast_convert_type3A_67, %and3A_68 : vector<2048x1xi32>
      %ne3A = arith.constant 0.000000e+00 : f32
      %ne3A_70 = vector.broadcast %ne3A : f32 to vector<2048x1xf32>
      %ne3A_71 = arith.cmpf one, %reshape3A_54, %ne3A_70 : vector<2048x1xf32>
      %jit3A_72 = arith.constant 4096 : i32
      %broadcast_in_dim3A_73 = vector.broadcast %jit3A_72 : i32 to vector<2048x1xi32>
      %select_n3A = arith.select %ne3A_71, %and3A_69, %broadcast_in_dim3A_73 : vector<2048x1xi1>, vector<2048x1xi32>
      %reshape3A_74 = vector.shape_cast %select_n3A : vector<2048x1xi32> to vector<1x2048x1xi32>
      %swap3A_75 = arith.constant 0 : index
      %swap3A_76 = arith.index_cast %mul3A_39 : i32 to index
      %swap3A_77 = arith.constant 0 : index
      %swap3A_78 = vector.load %arg3[%swap3A_75, %swap3A_76, %swap3A_77] : memref<1x4096x1xi32, #tpu.memory_space<vmem>>, vector<1x2048x1xi32>
      tpu.vector_store %arg3[%swap3A_75, %swap3A_76, %swap3A_77], %reshape3A_74 {strides = array<i32>} : memref<1x4096x1xi32, #tpu.memory_space<vmem>>, vector<1x2048x1xi32>,
    }
    %scan3A_12 = arith.constant 2 : i32
    %get3A_13 = arith.constant 0 : index
    %get3A_14 = arith.constant 2 : index
    %get3A_15 = arith.constant 0 : index
    %get3A_16 = vector.load %arg1[%get3A_13, %get3A_14, %get3A_15] : memref<1x3x4096xf32, #tpu.memory_space<vmem>>, vector<1x1x4096xf32>
    %reshape3A_17 = vector.shape_cast %get3A_16 : vector<1x1x4096xf32> to vector<1x4096xf32>
    %jit3A = arith.constant 9.99999996E-13 : f32
    %jit3A_18 = arith.constant 1.000000e+00 : f32
    %max3A = vector.broadcast %jit3A : f32 to vector<1x4096xf32>
    %max3A_19 = arith.maximumf %max3A, %reshape3A_17 : vector<1x4096xf32>
    %min3A = vector.broadcast %jit3A_18 : f32 to vector<1x4096xf32>
    %min3A_20 = arith.minimumf %min3A, %max3A_19 : vector<1x4096xf32>
    %log3A = math.log %min3A_20 : vector<1x4096xf32>
    %sub3A = arith.constant 1.000000e+00 : f32
    %sub3A_21 = vector.broadcast %sub3A : f32 to vector<1x4096xf32>
    %sub3A_22 = arith.subf %sub3A_21, %min3A_20 : vector<1x4096xf32>
    %log3A_23 = math.log %sub3A_22 : vector<1x4096xf32>
    %sub3A_24 = arith.subf %log3A, %log3A_23 : vector<1x4096xf32>
    %reshape3A_25 = vector.shape_cast %sub3A_24 : vector<1x4096xf32> to vector<1x1x4096xf32>
    %swap3A = arith.constant 0 : index
    %swap3A_26 = arith.constant 0 : index
    %swap3A_27 = arith.constant 0 : index
    %swap3A_28 = vector.load %arg4[%swap3A, %swap3A_26, %swap3A_27] : memref<1x1x4096xf32, #tpu.memory_space<vmem>>, vector<1x1x4096xf32>
    tpu.vector_store %arg4[%swap3A, %swap3A_26, %swap3A_27], %reshape3A_25 {strides = array<i32>} : memref<1x1x4096xf32, #tpu.memory_space<vmem>>, vector<1x1x4096xf32>,
    %reduce_sum3A = vector.shape_cast %log3A_23 : vector<1x4096xf32> to vector<1x1x4096xf32>
    %reduce_sum3A_29 = arith.constant dense<0.000000e+00> : vector<1xf32>
    %reduce_sum3A_30 = vector.multi_reduction <add>, %reduce_sum3A, %reduce_sum3A_29 [1, 2] : vector<1x1x4096xf32> to vector<1xf32>
    %reduce_sum3A_31 = vector.shape_cast %reduce_sum3A_30 : vector<1xf32> to vector<1x1x1xf32>
    %reduce_sum3A_32 = vector.extract %reduce_sum3A_31[0, 0, 0] : f32 from vector<1x1x1xf32>
    %reshape3A_33 = vector.broadcast %reduce_sum3A_32 : f32 to vector<1x1x1xf32>
    %swap3A_34 = arith.constant 0 : index
    %swap3A_35 = arith.constant 0 : index
    %swap3A_36 = arith.constant 0 : index
    %swap3A_37 = vector.load %arg5[%swap3A_34, %swap3A_35, %swap3A_36] : memref<1x1x1xf32, #tpu.memory_space<vmem>>, vector<1x1x1xf32>
    tpu.vector_store %arg5[%swap3A_34, %swap3A_35, %swap3A_36], %reshape3A_33 {strides = array<i32>} : memref<1x1x1xf32, #tpu.memory_space<vmem>>, vector<1x1x1xf32>,
    return
  }
  func.func @transform_0(%arg0: i32) -> (i32, i32, i32) {
    %c0_i32 = arith.constant 0 : i32
    %c0_i32_0 = arith.constant 0 : i32
    %c0_i32_1 = arith.constant 0 : i32
    return %arg0, %c0_i32, %c0_i32_0 : i32, i32, i32
  }
  func.func @transform_1(%arg0: i32) -> (i32, i32, i32) {
    %c0_i32 = arith.constant 0 : i32
    %c0_i32_0 = arith.constant 0 : i32
    %c0_i32_1 = arith.constant 0 : i32
    return %arg0, %c0_i32, %c0_i32_0 : i32, i32, i32
  }
  func.func @transform_2(%arg0: i32) -> (i32, i32, i32) {
    %c0_i32 = arith.constant 0 : i32
    %c0_i32_0 = arith.constant 0 : i32
    %c0_i32_1 = arith.constant 0 : i32
    return %arg0, %c0_i32, %c0_i32_0 : i32, i32, i32
  }
  func.func @transform_3(%arg0: i32) -> (i32, i32, i32) {
    %c0_i32 = arith.constant 0 : i32
    %c0_i32_0 = arith.constant 0 : i32
    %c0_i32_1 = arith.constant 0 : i32
    return %arg0, %c0_i32, %c0_i32_0 : i32, i32, i32
  }
  func.func @transform_4(%arg0: i32) -> (i32, i32, i32) {
    %c0_i32 = arith.constant 0 : i32
    %c0_i32_0 = arith.constant 0 : i32
    %c0_i32_1 = arith.constant 0 : i32
    return %arg0, %c0_i32, %c0_i32_0 : i32, i32, i32
  }
}

</mosaic_0001>

<sc_bundles>
// kernel: kernel.4.cloned.1.call-start
scs
__scs_entry_jumppad:
0x0: {  	(pc) =	sbr.rel $0x88, $3  }
0x1: {  	(tag) =	ssettag $0x0;
	lr =	simm.s32 $0x1  }
0x2: {  	[smem:$0x3F9F] =	sst lr;
	_ =	strace $0xD0000000  }
0x3: {  	_ = 	snop  }
0x4: {  	_ = 	snop  }
0x5: {  	_ = 	snop  }
0x6: {  	_ = 	snop  }
0x7: {  	_ = 	snop  }
__scs_overlays_trampoline_lowered:
0x8: {  	[smem:$0x3FAE] =	sst s0  }
0x9: {  	[smem:$0x3FAF] =	sst s1  }
0xa: {  	[smem:$0x3FB0] =	sst s2  }
0xb: {  	[smem:$0x3FB1] =	sst s3  }
0xc: {  	[smem:$0x3FB2] =	sst s4  }
0xd: {  	[smem:$0x3FB3] =	sst s5  }
0xe: {  	[smem:$0x3FB4] =	sst s6  }
0xf: {  	[smem:$0x3FB5] =	sst s7  }
0x10: {  	[smem:$0x3FB6] =	sst s8  }
0x11: {  	[smem:$0x3FB7] =	sst s9;
	s0 =	simm.s32 @!p0 $0x0  }
0x12: {  	s1 =	sld [smem:$0x3F9D];
	s0 =	simm.s32 @p0 $0x1  }
0x13: {  	[smem:$0x3FB8] =	sst s0;
	s0 =	simm.s32 @!p1 $0x0  }
0x14: {  	s2 =	sld [smem:$0x3F9C];
	s0 =	simm.s32 @p1 $0x1  }
0x15: {  	[smem:$0x3FB9] =	sst s0;
	s0 =	simm.s32 @!p2 $0x0  }
0x16: {  	s3 =	sld [smem:$0x3FDB];
	s0 =	simm.s32 @p2 $0x1  }
0x17: {  	s4 =	simm.s32 $0x1BF5;
	[smem:$0x3FBB] =	sst s0  }
0x18: {  	s0 =	sld [smem:$0x3F9E];
	_ =	swait.ge [sflag:s4], $0x0  }
0x19: {  	s7 =	sld [smem:$0x3F9F]  }
0x1a: {  	s8 =	sadd.s32 $0xFFFFE003, lr  }
0x1b: {  	s9 =	sadd.s32 $0xFFFFFEF7, lr;
	s5 =	simm.s32 $0xFFFFFFFF;
	p2 =	slt.u32 s8, $0xFFFFF086  }
0x1c: {  	p1 =	slt.u32 s9, $0xF7A;
	s5 =	simm.s32 @!p2 $0x0  }
0x1d: {  	s5 =	simm.s32 @p1 $0x1;
	p0 =	seq.s32 s7, s2  }
0x1e: {  	s7 =	smul.u32 @!p0 $0xF7A, s2;
	p2 =	seq.s32 @!p0 s5, $0x0  }
0x1f: {  	s9 =	smul.u32 $0xF7A, s1;
	s8 =	simm.s32 @!p0 $0x1BF5;
	p2 =	por !p2, p0  }
0x20: {  	[sflag:s8] =	ssyncset.s32 @!p0 $0xFFFFF086;
	s6 =	sadd.s32 @!p0 s3, s7;
	s7 =	simm.s32 @!p0 $0x108  }
0x21: {  	s3 =	sadd.s32 s3, s9;
	s6 =	sadd.s32 @!p0 $0x88, s6;
	s7 =	simm.s32 @p2 $0x1082  }
0x22: {  	[simem:s7], [sflag:s8] =	dma.local @!p0 [hbm:s6], $0xF7A  }
0x23: {  	s9 =	sor.u32 $0xD0000000, s2;
	s6 =	simm.s32 $0x108;
	_ =	swait.ge @!p0 [sflag:s8], $0x0  }
0x24: {  	s3 =	sadd.s32 $0x88, s3;
	s6 =	simm.s32 @!p1 $0x1082;
	[sflag:s4] =	ssyncset.s32 $0xFFFFF086  }
0x25: {  	[simem:s6], [sflag:s4] =	dma.local [hbm:s3], $0xF7A  }
0x26: {  	[smem:$0x3F9F] =	sst s1;
	(tag) =	ssettag s2;
	_ =	strace s9  }
0x27: {  	s1 =	sld [smem:$0x3FAF]  }
0x28: {  	s2 =	sld [smem:$0x3FB0]  }
0x29: {  	s4 =	sld [smem:$0x3FB2]  }
0x2a: {  	p0 =	seq.s32 s5, $0x0;
	s5 =	sld [smem:$0x3FB3]  }
0x2b: {  	s6 =	sld [smem:$0x3FB4]  }
0x2c: {  	s7 =	sld [smem:$0x3FB5]  }
0x2d: {  	s3 =	simm.s32 $0x108;
	s8 =	sld [smem:$0x3FB6]  }
0x2e: {  	s3 =	simm.s32 @!p0 $0x1082;
	s9 =	sld [smem:$0x3FB7]  }
0x2f: {  	lr =	sadd.s32 s0, s3;
	s0 =	sld [smem:$0x3FAE]  }
0x30: {  	s3 =	sld [smem:$0x3FB1]  }
0x31: {  	[smem:$0x3FBA] =	sst s10  }
0x32: {  	s10 =	sld [smem:$0x3FB8];
	_ =	sdelay $0x3  }
0x33: {  	p0 =	seq.s32 s10, $0x1;
	s10 =	sld [smem:$0x3FBA];
	_ =	sdelay $0x3  }
0x34: {  	[smem:$0x3FBA] =	sst s10  }
0x35: {  	s10 =	sld [smem:$0x3FB9];
	_ =	sdelay $0x3  }
0x36: {  	p1 =	seq.s32 s10, $0x1;
	s10 =	sld [smem:$0x3FBA];
	_ =	sdelay $0x3  }
0x37: {  	[smem:$0x3FBA] =	sst s10  }
0x38: {  	s10 =	sld [smem:$0x3FBB]  }
0x39: {  	_ = 	snop;
	(pc) =	sbr.ind lr, $3  }
0x3a: {  	_ = 	snop  }
0x3b: {  	_ = 	snop  }
0x3c: {  	p2 =	seq.s32 s10, $0x1;
	s10 =	sld [smem:$0x3FBA]  }
0x3d: {  	_ =	shalt  }
0x3e: {  	_ =	shalt  }
0x3f: {  	_ =	shalt  }
0x40: {  	_ =	shalt  }
0x41: {  	_ =	shalt  }
0x42: {  	_ =	shalt  }
0x43: {  	_ =	shalt  }
0x44: {  	_ =	shalt  }
0x45: {  	_ =	shalt  }
0x46: {  	_ =	shalt  }
0x47: {  	_ =	shalt  }
0x48: {  	_ =	shalt  }
0x49: {  	_ =	shalt  }
0x4a: {  	_ =	shalt  }
0x4b: {  	_ =	shalt  }
0x4c: {  	_ =	shalt  }
0x4d: {  	_ =	shalt  }
0x4e: {  	_ =	shalt  }
0x4f: {  	_ =	shalt  }
0x50: {  	_ =	shalt  }
0x51: {  	_ =	shalt  }
0x52: {  	_ =	shalt  }
0x53: {  	_ =	shalt  }
0x54: {  	_ =	shalt  }
0x55: {  	_ =	shalt  }
0x56: {  	_ =	shalt  }
0x57: {  	_ =	shalt  }
0x58: {  	_ =	shalt  }
0x59: {  	_ =	shalt  }
0x5a: {  	_ =	shalt  }
0x5b: {  	_ =	shalt  }
0x5c: {  	_ =	shalt  }
0x5d: {  	_ =	shalt  }
0x5e: {  	_ =	shalt  }
0x5f: {  	_ =	shalt  }
0x60: {  	_ =	shalt  }
0x61: {  	_ =	shalt  }
0x62: {  	_ =	shalt  }
0x63: {  	_ =	shalt  }
0x64: {  	_ =	shalt  }
0x65: {  	_ =	shalt  }
0x66: {  	_ =	shalt  }
0x67: {  	_ =	shalt  }
0x68: {  	_ =	shalt  }
0x69: {  	_ =	shalt  }
0x6a: {  	_ =	shalt  }
0x6b: {  	_ =	shalt  }
0x6c: {  	_ =	shalt  }
0x6d: {  	_ =	shalt  }
0x6e: {  	_ =	shalt  }
0x6f: {  	_ =	shalt  }
0x70: {  	_ =	shalt  }
0x71: {  	_ =	shalt  }
0x72: {  	_ =	shalt  }
0x73: {  	_ =	shalt  }
0x74: {  	_ =	shalt  }
0x75: {  	_ =	shalt  }
0x76: {  	_ =	shalt  }
0x77: {  	_ =	shalt  }
0x78: {  	_ =	shalt  }
0x79: {  	_ =	shalt  }
0x7a: {  	_ =	shalt  }
0x7b: {  	_ =	shalt  }
0x7c: {  	_ =	shalt  }
0x7d: {  	_ =	shalt  }
0x7e: {  	_ =	shalt  }
0x7f: {  	_ =	shalt  }
0x80: {  	_ =	shalt  }
0x81: {  	_ =	shalt  }
0x82: {  	_ =	shalt  }
0x83: {  	_ =	shalt  }
0x84: {  	_ =	shalt  }
0x85: {  	_ =	shalt  }
0x86: {  	_ =	shalt  }
0x87: {  	_ =	shalt  }
.Lfunc_end0:
.L_simem_size_0:
called_computation_lowered:
.L_overlay_start_0:
0x88: {  	s2 =	sld [smem:$0x3FD9]  }
0x89: {  	s3 =	sld [smem:$0x3FFE];
	_ =	sdelay $0x1  }
0x8a: {  	s1 =	srdreg.scid  }
0x8b: {  	s0 =	sand.u32 $0x1, s1  }
0x8c: {  	s16 =	sshll.u32 s0, $0xA;
	s2 =	sadd.s32 s3, s2  }
0x8d: {  	s2 =	sadd.s32 s2, s16  }
0x8e: {  	[smem:$0x3FC6] =	sst s2  }
0x8f: {  	_ = 	snop  }
0x90: {  	(tm) =	ssettm $0x1  }
0x91: {  	s17 =	sld [smem:$0x3FFB];
	_ =	sdelay $0x3  }
0x92: {  	_ =	strace s17  }
0x93: {  	s2 =	sld [smem:$0x3FFC];
	_ =	sdelay $0x3  }
0x94: {  	_ =	strace s2  }
0x95: {  	s2 =	sld [smem:$0x3FFD];
	_ =	sdelay $0x3  }
0x96: {  	_ =	strace s2  }
0x97: {  	_ =	strace $0x8FFFFFFF  }
0x98: {  	s18 =	sld [smem:$0x3FDB];
	_ =	sdelay $0x1  }
0x99: {  	s19 =	simm.s32 $_scs_section_size  }
0x9a: {  	s4 =	simm.s32 $_size__tile_overlayer_lowered;
	s5 =	simm.s32 $_tile_overlayer_lowered  }
0x9b: {  	s22 =	simm.s32 $0x1BFF;
	s21 =	sshll.u32 s5, $0x1;
	s2 =	sadd.s32 s19, s18  }
0x9c: {  	s6 =	simm.s32 $0x0;
	s20 =	sshll.u32 s4, $0x1;
	s4 =	sadd.s32 s21, s2  }
0x9d: {  	[timem:s6], [sflag:s22] =	dma.local [hbm:s4], s20  }
0x9e: {  	_ =	swait.ge [sflag:s22], s20  }
0x9f: {  	s3 =	ssub.s32 $0x0, s20;
	[sflag:s22] =	ssyncset.done $0x0  }
0xa0: {  	[sflag:s22] =	ssyncadd.s32 s3;
	_ =	sdelay $0x1  }
0xa1: {  	s23 =	simm.s32 $0x1B8B  }
0xa2: {  	_ =	swait.ge [sflag:s23], $0x1  }
0xa3: {  	[sflag:s23] =	ssyncset.done $0x0  }
0xa4: {  	s25 =	simm.s32 $0x1B8E;
	s24 =	sld [smem:$0x3FFE];
	[sflag:s23] =	ssyncadd.s32 $0xFFFFFFFF  }
0xa5: {  	s26 =	simm.s32 $execute0_lowered;
	[smem:$0x3FD2] =	sst s25  }
0xa6: {  	s4 =	sshll.u32 s26, $0x1;
	_ =	strace $0x80000046;
	[dreg:$0x1] =	wrdreg $0xFFFFFFFF  }
0xa7: {  	s28 =	simm.s32 $_size_execute0_lowered;
	s2 =	sadd.s32 s2, s4;
	[dreg:$0x0] =	wrdreg $0x0  }
0xa8: {  	s4 =	sshll.u32 s28, $0x1;
	[dreg:$0x2] =	wrdreg s2  }
0xa9: {  	[dreg:$0x3] =	wrdreg s4  }
0xaa: {  	[dreg:$0x4] =	wrdreg $0xC0  }
0xab: {  	_ =	task [dreg:s6], $0x5FFFF  }
0xac: {  	[dreg:$0x1] =	wrdreg $0xFFFFFFFF  }
0xad: {  	[dreg:$0x0] =	wrdreg $0x60  }
0xae: {  	[dreg:$0x2] =	wrdreg s24  }
0xaf: {  	[dreg:$0x3] =	wrdreg $0x9  }
0xb0: {  	_ =	task.clear_ibuf [dreg:s6], $0x4FFFF;
	_ =	strace $0x90000046  }
0xb1: {  	s29 =	simm.s32 $0x9;
	_ =	strace $0x80000048  }
0xb2: {  	_ =	swait.ge [sflag:s29], $0x1  }
0xb3: {  	[sflag:s29] =	ssyncadd.s32 $0xFFFFFFFF  }
0xb4: {  	_ =	strace $0x90000048  }
0xb5: {  	_ =	sfence  }
0xb6: {  	s30 =	sld [smem:$0x0];
	_ =	sdelay $0x2  }
0xb7: {  	s31 =	sshll.u32 s1, $0xD;
	s1 =	sshrl.u32 s1, $0x2  }
0xb8: {  	s3 =	sand.u32 $0x4000, s31;
	s1 =	sadd.s32 s1, s30  }
0xb9: {  	s0 =	sor.u32 s3, s0;
	s1 =	sshll.u32 s1, $0x11  }
0xba: {  	s0 =	sor.u32 s1, s0  }
0xbb: {  	s0 =	sadd.s32 $0x8F2B, s0  }
0xbc: {  	[sflag:s0] =	ssyncadd.remote.s32 $0x1  }
0xbd: {  	_ =	sfence.sel $0xFFFF  }
0xbe: {  	[dreg:$0x0] =	wrdreg $0xFFFFFFFF;
	(pc) =	sbr.abs _section_cstart, $3  }
0xbf: {  	[dreg:$0x1] =	wrdreg $0xFFFFFFFF  }
0xc0: {  	_ =	task.clear_ibuf [dreg:s6], $0x2FFFF;
	_ =	strace $0x9FFFFFFF  }
0xc1: {  	(tm) =	ssettm $0x7FFFFFFF  }
tec
execute0_lowered:
.L_overlay_start_1:
0x0: {  	(tag) =	ssettag $0x1  }
0x1: {  	s1 =	stileid.u32  }
0x2: {  	p0 =	sgt.u32 s1, $0x7  }
.Ltmp0:
0x3: {  	_ = 	snop;
	(pc) =	sbr.rel @p0 .LBB2_9-.Ltmp0, $4  }
0x4: {  	_ = 	snop  }
0x5: {  	s3 =	rddreg [dreg:$0x0];
	s2 =	simm.s32 $0x0  }
0x6: {  	[smem:$0x7FF] =	sst s2  }
0x7: {  	s0 =	rddreg [dreg:$0x1];
	_ =	strace $0x80000047  }
0x8: {  	s4 =	srdreg.scid;
	s5 =	sshll.u32 s1, $0x8;
	s6 =	sshrl.u32 s1, $0x2  }
0x9: {  	s8 =	sadd.s32 $0x2000, s3;
	s9 =	simm.s32 $0x1080;
	s10 =	simm.s32 $0x1  }
0xa: {  	s11 =	simm.s32 $0x2080;
	s12 =	simm.s32 $0x3100;
	s13 =	simm.s32 $0x2  }
0xb: {  	s14 =	simm.s32 $0x0;
	s4 =	sand.u32 $0x1, s4;
	s5 =	sand.u32 $0x300, s5  }
0xc: {  	s26 =	sshll.u32 s6, $0xA;
	s7 =	sshll.u32 s4, $0x7;
	s29 =	ssub.s32 $0x2, s4  }
0xd: {  	s6 =	sshll.u32 s6, $0xF;
	s5 =	sor.u32 s7, s5;
	s31 =	sshrl.u32 s29, $0x1  }
0xe: {  	s7 =	sor.u32 s26, s5;
	s5 =	sor.u32 s6, s5;
	s6 =	ssub.s32 s29, s31  }
0xf: {  	s28 =	sshrl.u32 s7, $0x3;
	s5 =	sshrl.u32 s5, $0x3;
	s6 =	smax.u32 s6, $0x1  }
0x10: {  	s7 =	simm.s32 $0x80;
	s30 =	sadd.s32 s28, s3;
	s3 =	sadd.s32 s3, s5  }
0x11: {  	v0 =	vimm.f32 $0.0e+00;
	s5 =	sadd.s32 s8, s5;
	s8 =	simm.s32 $0x400;
	s4 =	sadd.s32 $0x4000, s30  }
.LBB2_2:
0x12: {  	[tilespmem:s9], [sflag:$0x1] =	stream.strided.gather [hbm4b:s5+s7], $0x1000, s8, s7, $0x38;
	[tilespmem:$0x3180] =	vst v63  }
0x13: {  	_ =	swait.ge [sflag:s10], $0x1000  }
0x14: {  	[sflag:s10] =	ssyncset.done $0x0  }
0x15: {  	[sflag:s10] =	ssyncadd.s32 $0xFFFFF000  }
0x16: {  	[tilespmem:s11], [sflag:$0x1] =	stream.strided.gather [hbm4b:s3+s7], $0x1000, s8, s7, $0x38;
	[tilespmem:$0x3180] =	vst v63  }
0x17: {  	_ =	swait.ge [sflag:s10], $0x1000  }
0x18: {  	[sflag:s10] =	ssyncset.done $0x0  }
0x19: {  	[sflag:s10] =	ssyncadd.s32 $0xFFFFF000  }
0x1a: {  	s15 =	simm.s32 $0x40;
	s16 =	simm.s32 $0x0;
	[tilespmem:$0x3080] =	vst v0  }
.LBB2_3:
0x1b: {  	p0 =	sne.s32 s15, $0x4000;
	[tilespmem:s16+$0x0] =	vst v0;
	s16 =	smov.u32 s15;
	s15 =	sadd.s32 $0x40, s15  }
.Ltmp1:
0x1c: {  	(pc) =	sbr.rel @p0 .LBB2_3-.Ltmp1, $2  }
0x1d: {  	_ =	sdelay $0x2  }
0x1e: {  	s16 =	sshra.s32 s16, $0x2  }
0x1f: {  	[tilespmem:s16+$0x0] =	vst v0;
	s16 =	simm.s32 $0x0;
	s15 =	simm.s32 $0x40  }
.LBB2_5:
0x20: {  	p0 =	sne.s32 s15, $0x3FC0;
	v1 =	vld [tilespmem:s16+$0x1080];
	_ =	sdelay $0x7  }
0x21: {  	v2 =	vld.idx.msk [tilespmem:v1+s11+$0x0], $0xffff;
	_ =	sdelay $0x1  }
.Ltmp2:
0x22: {  	(pc) =	sbr.rel @p0 .LBB2_5-.Ltmp2, $2  }
0x23: {  	_ =	sdelay $0x2  }
0x24: {  	s16 =	sshra.s32 s15, $0x2;
	s15 =	sadd.s32 $0x40, s15;
	[tilespmem:v1+s2+$0x0] =	vst.idx.msk $0xffff, v2  }
0x25: {  	v1 =	vld [tilespmem:s16+$0x1080];
	_ =	sdelay $0x7  }
0x26: {  	v2 =	vld.idx.msk [tilespmem:v1+s11+$0x0], $0xffff;
	_ =	sdelay $0x4  }
0x27: {  	[tilespmem:v1+s2+$0x0] =	vst.idx.msk $0xffff, v2;
	v1 =	vimm.f32 $0.0e+00  }
0x28: {  	s31 =	simm.s32 $0x0;
	[tilespmem:$0x1000] =	vst v1  }
0x29: {  	s15 =	simm.s32 $0x40;
	v2 =	vld [tilespmem:s31+$0x0]  }
.LBB2_7:
0x2a: {  	p0 =	sne.s32 s15, $0x4000  }
.Ltmp3:
0x2b: {  	_ = 	snop;
	(pc) =	sbr.rel @p0 .LBB2_7-.Ltmp3, $3  }
0x2c: {  	_ =	sdelay $0x1  }
0x2d: {  	s16 =	sshra.s32 s15, $0x2;
	s15 =	sadd.s32 $0x40, s15;
	v1 =	vadd.f32 v2, v1  }
0x2e: {  	v2 =	vld [tilespmem:s16+$0x0]  }
0x2f: {  	_ =	sdelay $0x3  }
0x30: {  	s14 =	sadd.s32 $0x1, s14;
	v1 =	vadd.f32 v2, v1  }
0x31: {  	p0 =	sne.s32 s14, s6  }
.Ltmp4:
0x32: {  	[tilespmem:$0x3100] =	vst v1;
	(pc) =	sbr.rel @p0 .LBB2_2-.Ltmp4, $4  }
0x33: {  	[hbm4b:s4+s2] =	stream.linear.scatter [tilespmem:s12], [sflag:$0x2], $0x80, $0x38;
	[tilespmem:$0x3180] =	vst v63  }
0x34: {  	_ =	swait.ge [sflag:s13], $0x80  }
0x35: {  	[sflag:s13] =	ssyncset.done $0x0  }
0x36: {  	[sflag:s13] =	ssyncadd.s32 $0xFFFFFF80  }
.LBB2_9:
0x37: {  	_ =	sfence.sel $0x180000  }
0x38: {  	[bflag:$0x0] =	sbarrier.arrive $0xFFFF  }
0x39: {  	p0 =	sne.s32 s1, $0x0;
	_ =	strace $0x90000047  }
0x3a: {  	s0 =	sadd.s32 @!p0 $0x100000, s0;
	[bflag:$0x2] =	sbarrier.arrive $0xFFFF  }
0x3b: {  	[sflag:s0] =	ssyncadd.tile.s32 @!p0 $0x1;
	_ =	shalt  }
.Lfunc_end2:
_tile_overlayer_lowered:
.L_overlay_start_2:
0x3c: {  	(tag) =	ssettag $0x2  }
0x3d: {  	s0 =	rddreg [dreg:$0x0];
	s2 =	stileid.u32  }
0x3e: {  	s1 =	rddreg [dreg:$0x1];
	p0 =	sne.s32 s2, $0x0  }
0x3f: {  	s3 =	rddreg [dreg:$0x2];
	[bflag:$0x3] =	sbarrier.arrive $0xFFFF;
	s2 =	simm.s32 @!p0 $0x1C02  }
0x40: {  	[timem:s3], [sflag:s2] =	dma.local @!p0 [hbm:s0], s1  }
0x41: {  	s0 =	simm.s32 @!p0 $0x2  }
0x42: {  	_ =	swait.ge @!p0 [sflag:s0], s1  }
0x43: {  	s1 =	ssub.s32 @!p0 $0x0, s1;
	[sflag:s0] =	ssyncset.done @!p0 $0x0  }
0x44: {  	[sflag:s0] =	ssyncadd.s32 @!p0 s1  }
0x45: {  	[bflag:$0x3] =	sbarrier.arrive $0xFFFF  }
0x46: {  	_ =	shalt  }

</sc_bundles>
